<compile_context>
chip_gen: v7x
topology: tpu7x:2x2x1
jax: 0.10.2.dev20260603
libtpu: 0.0.44.dev20260713+nightly
codegen_flags: <defaults>
</compile_context>

<pallas_src>
import math

import jax
import jax.numpy as jnp
from jax.experimental import pallas as pl
from jax.experimental.pallas import tpu as pltpu

N_NODES = 32
K_NBR = 8
C_IN = 128
H = 128
C_OUT = 128

BB = 64


def _body(x_ref, wq_ref, bq_ref, wk_ref, bk_ref, wv_ref, bv_ref,
          wo_ref, bo_ref, nbr_ref, o_ref, mbias_ref):
    @pl.when(pl.program_id(0) == 0)
    def _():
        nbr = nbr_ref[...]
        ids = jax.lax.broadcasted_iota(jnp.int32, (N_NODES, K_NBR, N_NODES), 2)
        hit = jnp.any(nbr[:, :, None] == ids, axis=1)
        mbias_ref[...] = jnp.where(hit, 0.0, -1e30)

    xb = x_ref[...]
    xt = jnp.swapaxes(xb, 1, 2)

    def proj(w_ref):
        acc = None
        for cs in range(4):
            part = jax.lax.dot_general(
                xt[:, cs * 32:(cs + 1) * 32, :], w_ref[cs],
                (((2,), (0,)), ((), ())),
                preferred_element_type=jnp.float32)
            acc = part if acc is None else acc + part
        return acc

    q = proj(wq_ref) + bq_ref[...]
    k = proj(wk_ref) + bk_ref[...]
    v = proj(wv_ref) + bv_ref[...]

    s = jax.lax.dot_general(q, k, (((2,), (2,)), ((0,), (0,))),
                            preferred_element_type=jnp.float32)
    e = jnp.exp2(s + mbias_ref[...][None, :, :])
    p = e * (1.0 / jnp.sum(e, axis=-1, keepdims=True))

    attn = jax.lax.dot_general(p, v, (((2,), (1,)), ((0,), (0,))),
                               preferred_element_type=jnp.float32)

    zs = [jax.lax.dot_general(attn, wo_ref[cs], (((2,), (0,)), ((), ())),
                              preferred_element_type=jnp.float32)
          + bo_ref[cs][None, :, :]
          for cs in range(4)]
    z = jnp.concatenate(zs, axis=1)
    o_ref[...] = jnp.swapaxes(z, 1, 2)


@jax.jit
def kernel(x, Wq, bq, Wk, bk, Wv, bv, Wo, bo, nbr):
    B = x.shape[0]
    nbr32 = nbr.astype(jnp.int32)
    alpha = math.log2(math.e) / math.sqrt(H)

    def row_slices(W):
        return W.reshape(32, 4, H).transpose(1, 0, 2)

    Wq3 = row_slices(Wq) * alpha
    Wk3 = row_slices(Wk)
    Wv3 = row_slices(Wv)
    Wo3 = Wo.reshape(H, 32, 4).transpose(2, 0, 1)
    bo3 = jnp.broadcast_to(bo.reshape(32, 4).transpose(1, 0)[:, None, :],
                           (4, 1, 32))

    x5 = x.reshape(B, 32, 128)
    grid = (B // BB,)
    w3spec = pl.BlockSpec((4, 32, H), lambda i: (0, 0, 0))
    bspec = pl.BlockSpec((1, H), lambda i: (0, 0))
    out = pl.pallas_call(
        _body,
        grid=grid,
        in_specs=[
            pl.BlockSpec((BB, 32, 128), lambda i: (i, 0, 0)),
            w3spec, bspec, w3spec, bspec, w3spec, bspec,
            pl.BlockSpec((4, H, 32), lambda i: (0, 0, 0)),
            pl.BlockSpec((4, 1, 32), lambda i: (0, 0, 0)),
            pl.BlockSpec((N_NODES, K_NBR), lambda i: (0, 0)),
        ],
        out_specs=pl.BlockSpec((BB, 32, 128), lambda i: (i, 0, 0)),
        out_shape=jax.ShapeDtypeStruct((B, 32, 128), jnp.float32),
        scratch_shapes=[pltpu.VMEM((N_NODES, N_NODES), jnp.float32)],
    )(x5, Wq3, bq.reshape(1, H) * alpha, Wk3, bk.reshape(1, H),
      Wv3, bv.reshape(1, H), Wo3, bo3, nbr32)
    return out.reshape(B, C_OUT, N_NODES)

# --- scband reference (transcript-rebuilt; emitter-appended) ---
"""Pipeline reference for scband-iter-local-softmax-attention-32719060861269 (READ-ONLY COPY).

The authoritative reference and input builder live on the scoring server;
editing this copy changes nothing except your own understanding.
"""

import math
import jax, jax.numpy as jnp
import numpy as np

N_NODES = 32
K_NBR = 8
B = 2048
C_IN = 128
H = 128
C_OUT = 128


def setup_inputs(seed: int = 0) -> dict:
    key = jax.random.key(seed)
    ks = jax.random.split(key, 8)
    x = jax.random.normal(ks[0], (B, C_IN, N_NODES), dtype=jnp.float32)
    Wq = jax.random.normal(ks[1], (C_IN, H), dtype=jnp.float32) * 0.05
    bq = jnp.zeros((H,), dtype=jnp.float32)
    Wk = jax.random.normal(ks[2], (C_IN, H), dtype=jnp.float32) * 0.05
    bk = jnp.zeros((H,), dtype=jnp.float32)
    Wv = jax.random.normal(ks[3], (C_IN, H), dtype=jnp.float32) * 0.05
    bv = jnp.zeros((H,), dtype=jnp.float32)
    Wo = jax.random.normal(ks[4], (H, C_OUT), dtype=jnp.float32) * 0.05
    bo = jnp.zeros((C_OUT,), dtype=jnp.float32)
    nbr = (jnp.arange(N_NODES)[:, None] + jnp.arange(K_NBR)[None, :]) % N_NODES
    nbr = nbr.astype(jnp.int64)
    return {"x": x, "Wq": Wq, "bq": bq, "Wk": Wk, "bk": bk, "Wv": Wv, "bv": bv, "Wo": Wo, "bo": bo, "nbr": nbr}


def reference(x, Wq, bq, Wk, bk, Wv, bv, Wo, bo, nbr):
    # x: [B, C, N] -> permute to [B, N, C]
    xt = jnp.transpose(x, (0, 2, 1))
    q = xt @ Wq + bq  # [B, N, H]
    k = xt @ Wk + bk
    v = xt @ Wv + bv
    scale = math.sqrt(q.shape[-1])
    outs = []
    for j in range(nbr.shape[0]):
        idx = nbr[j]
        kj = k[:, idx, :]  # gather neighbors: [B, k, H]
        vj = v[:, idx, :]
        s = jnp.einsum('bc,bic->bi', q[:, j, :], kj)  # [B, k]
        s = jax.nn.softmax(s / scale, axis=1)
        outs.append(jnp.einsum('bi,bic->bc', s, vj))  # [B, H]
    attn = jnp.stack(outs, axis=1)  # [B, N, H]
    out = attn @ Wo + bo  # [B, N, C_OUT]
    return jnp.transpose(out, (0, 2, 1))  # [B, C_OUT, N]

if __name__ == "__main__":
    import jax
    _d = setup_inputs()
    print(jax.jit(kernel)(*tuple(_d.values())))

</pallas_src>

<mosaic_0001>
module attributes {stable_mosaic.version = 14 : i64} {
  func.func @_body(%arg0: i32, %arg1: memref<64x32x128xf32, #tpu.memory_space<vmem>>, %arg2: memref<4x32x128xf32, #tpu.memory_space<vmem>>, %arg3: memref<1x128xf32, #tpu.memory_space<vmem>>, %arg4: memref<4x32x128xf32, #tpu.memory_space<vmem>>, %arg5: memref<1x128xf32, #tpu.memory_space<vmem>>, %arg6: memref<4x32x128xf32, #tpu.memory_space<vmem>>, %arg7: memref<1x128xf32, #tpu.memory_space<vmem>>, %arg8: memref<4x128x32xf32, #tpu.memory_space<vmem>>, %arg9: memref<4x1x32xf32, #tpu.memory_space<vmem>>, %arg10: memref<32x8xi32, #tpu.memory_space<vmem>>, %arg11: memref<64x32x128xf32, #tpu.memory_space<vmem>>, %arg12: memref<32x32xf32, #tpu.memory_space<vmem>>) attributes {dimension_semantics = [#tpu.dimension_semantics<arbitrary>], iteration_bounds = array<i64: 32>, scalar_prefetch = 0 : i64, scratch_operands = 1 : i64, tpu.core_type = #tpu.core_type<tc>, window_params = [{transform_indices = @transform_0, window_bounds = array<i64: 64, 32, 128>}, {pipeline_mode = #tpu.pipeline_mode<synchronous>, transform_indices = @transform_1, window_bounds = array<i64: 4, 32, 128>}, {pipeline_mode = #tpu.pipeline_mode<synchronous>, transform_indices = @transform_2, window_bounds = array<i64: 1, 128>}, {pipeline_mode = #tpu.pipeline_mode<synchronous>, transform_indices = @transform_3, window_bounds = array<i64: 4, 32, 128>}, {pipeline_mode = #tpu.pipeline_mode<synchronous>, transform_indices = @transform_4, window_bounds = array<i64: 1, 128>}, {pipeline_mode = #tpu.pipeline_mode<synchronous>, transform_indices = @transform_5, window_bounds = array<i64: 4, 32, 128>}, {pipeline_mode = #tpu.pipeline_mode<synchronous>, transform_indices = @transform_6, window_bounds = array<i64: 1, 128>}, {pipeline_mode = #tpu.pipeline_mode<synchronous>, transform_indices = @transform_7, window_bounds = array<i64: 4, 128, 32>}, {pipeline_mode = #tpu.pipeline_mode<synchronous>, transform_indices = @transform_8, window_bounds = array<i64: 4, 1, 32>}, {pipeline_mode = #tpu.pipeline_mode<synchronous>, transform_indices = @transform_9, window_bounds = array<i64: 32, 8>}, {transform_indices = @transform_10, window_bounds = array<i64: 64, 32, 128>}]} {
    %eq3A = arith.constant 0 : i32
    %eq3A_0 = arith.cmpi eq, %arg0, %eq3A : i32
    %convert_element_type3A = arith.extui %eq3A_0 : i1 to i32
    %cond3A = arith.constant 0 : i32
    %cond3A_1 = arith.cmpi ne, %convert_element_type3A, %cond3A : i32
    scf.if %cond3A_1 {
      %get3A_203 = arith.constant 0 : index
      %get3A_204 = arith.constant 0 : index
      %get3A_205 = vector.load %arg10[%get3A_203, %get3A_204] : memref<32x8xi32, #tpu.memory_space<vmem>>, vector<32x8xi32>
      %iota3A = tpu.iota {dimensions = array<i32: 2>} : vector<32x8x32xi32>
      %broadcast_in_dim3A_206 = vector.shape_cast %get3A_205 : vector<32x8xi32> to vector<32x8x1xi32>
      %eq3A_207 = vector.broadcast %broadcast_in_dim3A_206 : vector<32x8x1xi32> to vector<32x8x32xi32>
      %eq3A_208 = arith.cmpi eq, %eq3A_207, %iota3A : vector<32x8x32xi32>
      %reduce_or3A = arith.constant 1.000000e+00 : f32
      %reduce_or3A_209 = arith.constant 0.000000e+00 : f32
      %reduce_or3A_210 = vector.broadcast %reduce_or3A : f32 to vector<32x8x32xf32>
      %reduce_or3A_211 = vector.broadcast %reduce_or3A_209 : f32 to vector<32x8x32xf32>
      %reduce_or3A_212 = arith.select %eq3A_208, %reduce_or3A_210, %reduce_or3A_211 : vector<32x8x32xi1>, vector<32x8x32xf32>
      %reduce_or3A_213 = arith.constant dense<0xFF800000> : vector<32x32xf32>
      %reduce_or3A_214 = vector.multi_reduction <maximumf>, %reduce_or3A_212, %reduce_or3A_213 [1] : vector<32x8x32xf32> to vector<32x32xf32>
      %reduce_or3A_215 = arith.constant 0.000000e+00 : f32
      %reduce_or3A_216 = vector.broadcast %reduce_or3A_215 : f32 to vector<32x32xf32>
      %reduce_or3A_217 = arith.cmpf ogt, %reduce_or3A_214, %reduce_or3A_216 : vector<32x32xf32>
      %jit3A = arith.constant 0.000000e+00 : f32
      %jit3A_218 = arith.constant -1.000000e+30 : f32
      %broadcast_in_dim3A_219 = vector.broadcast %jit3A : f32 to vector<32x32xf32>
      %broadcast_in_dim3A_220 = vector.broadcast %jit3A_218 : f32 to vector<32x32xf32>
      %select_n3A = arith.select %reduce_or3A_217, %broadcast_in_dim3A_219, %broadcast_in_dim3A_220 : vector<32x32xi1>, vector<32x32xf32>
      %swap3A_221 = arith.constant 0 : index
      %swap3A_222 = arith.constant 0 : index
      %swap3A_223 = vector.load %arg12[%swap3A_221, %swap3A_222] : memref<32x32xf32, #tpu.memory_space<vmem>>, vector<32x32xf32>
      tpu.vector_store %arg12[%swap3A_221, %swap3A_222], %select_n3A {strides = array<i32>} : memref<32x32xf32, #tpu.memory_space<vmem>>, vector<32x32xf32>,
    } else {
    }
    %get3A = arith.constant 0 : index
    %get3A_2 = arith.constant 0 : index
    %get3A_3 = arith.constant 0 : index
    %get3A_4 = vector.load %arg1[%get3A, %get3A_2, %get3A_3] : memref<64x32x128xf32, #tpu.memory_space<vmem>>, vector<64x32x128xf32>
    %transpose3A = tpu.transpose %get3A_4, [0, 2, 1] : vector<64x32x128xf32> -> vector<64x128x32xf32>
    %slice3A = vector.extract_strided_slice %transpose3A {offsets = [0, 0, 0], sizes = [64, 32, 32], strides = [1, 1, 1]} : vector<64x128x32xf32> to vector<64x32x32xf32>
    %get3A_5 = arith.constant 0 : index
    %get3A_6 = arith.constant 0 : index
    %get3A_7 = arith.constant 0 : index
    %get3A_8 = vector.load %arg2[%get3A_5, %get3A_6, %get3A_7] : memref<4x32x128xf32, #tpu.memory_space<vmem>>, vector<1x32x128xf32>
    %get3A_9 = vector.shape_cast %get3A_8 : vector<1x32x128xf32> to vector<32x128xf32>
    %dot_general3A = arith.constant dense<0.000000e+00> : vector<64x32x128xf32>
    %dot_general3A_10 = tpu.matmul %slice3A, %get3A_9, %dot_general3A {dimension_numbers = #tpu.dot_dimension_numbers<[2], [0], [0, 1], [1], [0, 0, 0, 1, 1, 1], [], []>, transpose_lhs_hint = false} : vector<64x32x32xf32>, vector<32x128xf32>, vector<64x32x128xf32> -> vector<64x32x128xf32>
    %slice3A_11 = vector.extract_strided_slice %transpose3A {offsets = [0, 32, 0], sizes = [64, 32, 32], strides = [1, 1, 1]} : vector<64x128x32xf32> to vector<64x32x32xf32>
    %get3A_12 = arith.constant 1 : index
    %get3A_13 = arith.constant 0 : index
    %get3A_14 = arith.constant 0 : index
    %get3A_15 = vector.load %arg2[%get3A_12, %get3A_13, %get3A_14] : memref<4x32x128xf32, #tpu.memory_space<vmem>>, vector<1x32x128xf32>
    %get3A_16 = vector.shape_cast %get3A_15 : vector<1x32x128xf32> to vector<32x128xf32>
    %dot_general3A_17 = arith.constant dense<0.000000e+00> : vector<64x32x128xf32>
    %dot_general3A_18 = tpu.matmul %slice3A_11, %get3A_16, %dot_general3A_17 {dimension_numbers = #tpu.dot_dimension_numbers<[2], [0], [0, 1], [1], [0, 0, 0, 1, 1, 1], [], []>, transpose_lhs_hint = false} : vector<64x32x32xf32>, vector<32x128xf32>, vector<64x32x128xf32> -> vector<64x32x128xf32>
    %add3A = arith.addf %dot_general3A_10, %dot_general3A_18 : vector<64x32x128xf32>
    %slice3A_19 = vector.extract_strided_slice %transpose3A {offsets = [0, 64, 0], sizes = [64, 32, 32], strides = [1, 1, 1]} : vector<64x128x32xf32> to vector<64x32x32xf32>
    %get3A_20 = arith.constant 2 : index
    %get3A_21 = arith.constant 0 : index
    %get3A_22 = arith.constant 0 : index
    %get3A_23 = vector.load %arg2[%get3A_20, %get3A_21, %get3A_22] : memref<4x32x128xf32, #tpu.memory_space<vmem>>, vector<1x32x128xf32>
    %get3A_24 = vector.shape_cast %get3A_23 : vector<1x32x128xf32> to vector<32x128xf32>
    %dot_general3A_25 = arith.constant dense<0.000000e+00> : vector<64x32x128xf32>
    %dot_general3A_26 = tpu.matmul %slice3A_19, %get3A_24, %dot_general3A_25 {dimension_numbers = #tpu.dot_dimension_numbers<[2], [0], [0, 1], [1], [0, 0, 0, 1, 1, 1], [], []>, transpose_lhs_hint = false} : vector<64x32x32xf32>, vector<32x128xf32>, vector<64x32x128xf32> -> vector<64x32x128xf32>
    %add3A_27 = arith.addf %add3A, %dot_general3A_26 : vector<64x32x128xf32>
    %slice3A_28 = vector.extract_strided_slice %transpose3A {offsets = [0, 96, 0], sizes = [64, 32, 32], strides = [1, 1, 1]} : vector<64x128x32xf32> to vector<64x32x32xf32>
    %get3A_29 = arith.constant 3 : index
    %get3A_30 = arith.constant 0 : index
    %get3A_31 = arith.constant 0 : index
    %get3A_32 = vector.load %arg2[%get3A_29, %get3A_30, %get3A_31] : memref<4x32x128xf32, #tpu.memory_space<vmem>>, vector<1x32x128xf32>
    %get3A_33 = vector.shape_cast %get3A_32 : vector<1x32x128xf32> to vector<32x128xf32>
    %dot_general3A_34 = arith.constant dense<0.000000e+00> : vector<64x32x128xf32>
    %dot_general3A_35 = tpu.matmul %slice3A_28, %get3A_33, %dot_general3A_34 {dimension_numbers = #tpu.dot_dimension_numbers<[2], [0], [0, 1], [1], [0, 0, 0, 1, 1, 1], [], []>, transpose_lhs_hint = false} : vector<64x32x32xf32>, vector<32x128xf32>, vector<64x32x128xf32> -> vector<64x32x128xf32>
    %add3A_36 = arith.addf %add3A_27, %dot_general3A_35 : vector<64x32x128xf32>
    %get3A_37 = arith.constant 0 : index
    %get3A_38 = arith.constant 0 : index
    %get3A_39 = vector.load %arg3[%get3A_37, %get3A_38] : memref<1x128xf32, #tpu.memory_space<vmem>>, vector<1x128xf32>
    %broadcast_in_dim3A = vector.shape_cast %get3A_39 : vector<1x128xf32> to vector<1x1x128xf32>
    %add3A_40 = vector.broadcast %broadcast_in_dim3A : vector<1x1x128xf32> to vector<64x32x128xf32>
    %add3A_41 = arith.addf %add3A_36, %add3A_40 : vector<64x32x128xf32>
    %slice3A_42 = vector.extract_strided_slice %transpose3A {offsets = [0, 0, 0], sizes = [64, 32, 32], strides = [1, 1, 1]} : vector<64x128x32xf32> to vector<64x32x32xf32>
    %get3A_43 = arith.constant 0 : index
    %get3A_44 = arith.constant 0 : index
    %get3A_45 = arith.constant 0 : index
    %get3A_46 = vector.load %arg4[%get3A_43, %get3A_44, %get3A_45] : memref<4x32x128xf32, #tpu.memory_space<vmem>>, vector<1x32x128xf32>
    %get3A_47 = vector.shape_cast %get3A_46 : vector<1x32x128xf32> to vector<32x128xf32>
    %dot_general3A_48 = arith.constant dense<0.000000e+00> : vector<64x32x128xf32>
    %dot_general3A_49 = tpu.matmul %slice3A_42, %get3A_47, %dot_general3A_48 {dimension_numbers = #tpu.dot_dimension_numbers<[2], [0], [0, 1], [1], [0, 0, 0, 1, 1, 1], [], []>, transpose_lhs_hint = false} : vector<64x32x32xf32>, vector<32x128xf32>, vector<64x32x128xf32> -> vector<64x32x128xf32>
    %slice3A_50 = vector.extract_strided_slice %transpose3A {offsets = [0, 32, 0], sizes = [64, 32, 32], strides = [1, 1, 1]} : vector<64x128x32xf32> to vector<64x32x32xf32>
    %get3A_51 = arith.constant 1 : index
    %get3A_52 = arith.constant 0 : index
    %get3A_53 = arith.constant 0 : index
    %get3A_54 = vector.load %arg4[%get3A_51, %get3A_52, %get3A_53] : memref<4x32x128xf32, #tpu.memory_space<vmem>>, vector<1x32x128xf32>
    %get3A_55 = vector.shape_cast %get3A_54 : vector<1x32x128xf32> to vector<32x128xf32>
    %dot_general3A_56 = arith.constant dense<0.000000e+00> : vector<64x32x128xf32>
    %dot_general3A_57 = tpu.matmul %slice3A_50, %get3A_55, %dot_general3A_56 {dimension_numbers = #tpu.dot_dimension_numbers<[2], [0], [0, 1], [1], [0, 0, 0, 1, 1, 1], [], []>, transpose_lhs_hint = false} : vector<64x32x32xf32>, vector<32x128xf32>, vector<64x32x128xf32> -> vector<64x32x128xf32>
    %add3A_58 = arith.addf %dot_general3A_49, %dot_general3A_57 : vector<64x32x128xf32>
    %slice3A_59 = vector.extract_strided_slice %transpose3A {offsets = [0, 64, 0], sizes = [64, 32, 32], strides = [1, 1, 1]} : vector<64x128x32xf32> to vector<64x32x32xf32>
    %get3A_60 = arith.constant 2 : index
    %get3A_61 = arith.constant 0 : index
    %get3A_62 = arith.constant 0 : index
    %get3A_63 = vector.load %arg4[%get3A_60, %get3A_61, %get3A_62] : memref<4x32x128xf32, #tpu.memory_space<vmem>>, vector<1x32x128xf32>
    %get3A_64 = vector.shape_cast %get3A_63 : vector<1x32x128xf32> to vector<32x128xf32>
    %dot_general3A_65 = arith.constant dense<0.000000e+00> : vector<64x32x128xf32>
    %dot_general3A_66 = tpu.matmul %slice3A_59, %get3A_64, %dot_general3A_65 {dimension_numbers = #tpu.dot_dimension_numbers<[2], [0], [0, 1], [1], [0, 0, 0, 1, 1, 1], [], []>, transpose_lhs_hint = false} : vector<64x32x32xf32>, vector<32x128xf32>, vector<64x32x128xf32> -> vector<64x32x128xf32>
    %add3A_67 = arith.addf %add3A_58, %dot_general3A_66 : vector<64x32x128xf32>
    %slice3A_68 = vector.extract_strided_slice %transpose3A {offsets = [0, 96, 0], sizes = [64, 32, 32], strides = [1, 1, 1]} : vector<64x128x32xf32> to vector<64x32x32xf32>
    %get3A_69 = arith.constant 3 : index
    %get3A_70 = arith.constant 0 : index
    %get3A_71 = arith.constant 0 : index
    %get3A_72 = vector.load %arg4[%get3A_69, %get3A_70, %get3A_71] : memref<4x32x128xf32, #tpu.memory_space<vmem>>, vector<1x32x128xf32>
    %get3A_73 = vector.shape_cast %get3A_72 : vector<1x32x128xf32> to vector<32x128xf32>
    %dot_general3A_74 = arith.constant dense<0.000000e+00> : vector<64x32x128xf32>
    %dot_general3A_75 = tpu.matmul %slice3A_68, %get3A_73, %dot_general3A_74 {dimension_numbers = #tpu.dot_dimension_numbers<[2], [0], [0, 1], [1], [0, 0, 0, 1, 1, 1], [], []>, transpose_lhs_hint = false} : vector<64x32x32xf32>, vector<32x128xf32>, vector<64x32x128xf32> -> vector<64x32x128xf32>
    %add3A_76 = arith.addf %add3A_67, %dot_general3A_75 : vector<64x32x128xf32>
    %get3A_77 = arith.constant 0 : index
    %get3A_78 = arith.constant 0 : index
    %get3A_79 = vector.load %arg5[%get3A_77, %get3A_78] : memref<1x128xf32, #tpu.memory_space<vmem>>, vector<1x128xf32>
    %broadcast_in_dim3A_80 = vector.shape_cast %get3A_79 : vector<1x128xf32> to vector<1x1x128xf32>
    %add3A_81 = vector.broadcast %broadcast_in_dim3A_80 : vector<1x1x128xf32> to vector<64x32x128xf32>
    %add3A_82 = arith.addf %add3A_76, %add3A_81 : vector<64x32x128xf32>
    %slice3A_83 = vector.extract_strided_slice %transpose3A {offsets = [0, 0, 0], sizes = [64, 32, 32], strides = [1, 1, 1]} : vector<64x128x32xf32> to vector<64x32x32xf32>
    %get3A_84 = arith.constant 0 : index
    %get3A_85 = arith.constant 0 : index
    %get3A_86 = arith.constant 0 : index
    %get3A_87 = vector.load %arg6[%get3A_84, %get3A_85, %get3A_86] : memref<4x32x128xf32, #tpu.memory_space<vmem>>, vector<1x32x128xf32>
    %get3A_88 = vector.shape_cast %get3A_87 : vector<1x32x128xf32> to vector<32x128xf32>
    %dot_general3A_89 = arith.constant dense<0.000000e+00> : vector<64x32x128xf32>
    %dot_general3A_90 = tpu.matmul %slice3A_83, %get3A_88, %dot_general3A_89 {dimension_numbers = #tpu.dot_dimension_numbers<[2], [0], [0, 1], [1], [0, 0, 0, 1, 1, 1], [], []>, transpose_lhs_hint = false} : vector<64x32x32xf32>, vector<32x128xf32>, vector<64x32x128xf32> -> vector<64x32x128xf32>
    %slice3A_91 = vector.extract_strided_slice %transpose3A {offsets = [0, 32, 0], sizes = [64, 32, 32], strides = [1, 1, 1]} : vector<64x128x32xf32> to vector<64x32x32xf32>
    %get3A_92 = arith.constant 1 : index
    %get3A_93 = arith.constant 0 : index
    %get3A_94 = arith.constant 0 : index
    %get3A_95 = vector.load %arg6[%get3A_92, %get3A_93, %get3A_94] : memref<4x32x128xf32, #tpu.memory_space<vmem>>, vector<1x32x128xf32>
    %get3A_96 = vector.shape_cast %get3A_95 : vector<1x32x128xf32> to vector<32x128xf32>
    %dot_general3A_97 = arith.constant dense<0.000000e+00> : vector<64x32x128xf32>
    %dot_general3A_98 = tpu.matmul %slice3A_91, %get3A_96, %dot_general3A_97 {dimension_numbers = #tpu.dot_dimension_numbers<[2], [0], [0, 1], [1], [0, 0, 0, 1, 1, 1], [], []>, transpose_lhs_hint = false} : vector<64x32x32xf32>, vector<32x128xf32>, vector<64x32x128xf32> -> vector<64x32x128xf32>
    %add3A_99 = arith.addf %dot_general3A_90, %dot_general3A_98 : vector<64x32x128xf32>
    %slice3A_100 = vector.extract_strided_slice %transpose3A {offsets = [0, 64, 0], sizes = [64, 32, 32], strides = [1, 1, 1]} : vector<64x128x32xf32> to vector<64x32x32xf32>
    %get3A_101 = arith.constant 2 : index
    %get3A_102 = arith.constant 0 : index
    %get3A_103 = arith.constant 0 : index
    %get3A_104 = vector.load %arg6[%get3A_101, %get3A_102, %get3A_103] : memref<4x32x128xf32, #tpu.memory_space<vmem>>, vector<1x32x128xf32>
    %get3A_105 = vector.shape_cast %get3A_104 : vector<1x32x128xf32> to vector<32x128xf32>
    %dot_general3A_106 = arith.constant dense<0.000000e+00> : vector<64x32x128xf32>
    %dot_general3A_107 = tpu.matmul %slice3A_100, %get3A_105, %dot_general3A_106 {dimension_numbers = #tpu.dot_dimension_numbers<[2], [0], [0, 1], [1], [0, 0, 0, 1, 1, 1], [], []>, transpose_lhs_hint = false} : vector<64x32x32xf32>, vector<32x128xf32>, vector<64x32x128xf32> -> vector<64x32x128xf32>
    %add3A_108 = arith.addf %add3A_99, %dot_general3A_107 : vector<64x32x128xf32>
    %slice3A_109 = vector.extract_strided_slice %transpose3A {offsets = [0, 96, 0], sizes = [64, 32, 32], strides = [1, 1, 1]} : vector<64x128x32xf32> to vector<64x32x32xf32>
    %get3A_110 = arith.constant 3 : index
    %get3A_111 = arith.constant 0 : index
    %get3A_112 = arith.constant 0 : index
    %get3A_113 = vector.load %arg6[%get3A_110, %get3A_111, %get3A_112] : memref<4x32x128xf32, #tpu.memory_space<vmem>>, vector<1x32x128xf32>
    %get3A_114 = vector.shape_cast %get3A_113 : vector<1x32x128xf32> to vector<32x128xf32>
    %dot_general3A_115 = arith.constant dense<0.000000e+00> : vector<64x32x128xf32>
    %dot_general3A_116 = tpu.matmul %slice3A_109, %get3A_114, %dot_general3A_115 {dimension_numbers = #tpu.dot_dimension_numbers<[2], [0], [0, 1], [1], [0, 0, 0, 1, 1, 1], [], []>, transpose_lhs_hint = false} : vector<64x32x32xf32>, vector<32x128xf32>, vector<64x32x128xf32> -> vector<64x32x128xf32>
    %add3A_117 = arith.addf %add3A_108, %dot_general3A_116 : vector<64x32x128xf32>
    %get3A_118 = arith.constant 0 : index
    %get3A_119 = arith.constant 0 : index
    %get3A_120 = vector.load %arg7[%get3A_118, %get3A_119] : memref<1x128xf32, #tpu.memory_space<vmem>>, vector<1x128xf32>
    %broadcast_in_dim3A_121 = vector.shape_cast %get3A_120 : vector<1x128xf32> to vector<1x1x128xf32>
    %add3A_122 = vector.broadcast %broadcast_in_dim3A_121 : vector<1x1x128xf32> to vector<64x32x128xf32>
    %add3A_123 = arith.addf %add3A_117, %add3A_122 : vector<64x32x128xf32>
    %dot_general3A_124 = arith.constant dense<0.000000e+00> : vector<64x32x32xf32>
    %dot_general3A_125 = tpu.matmul %add3A_41, %add3A_82, %dot_general3A_124 {dimension_numbers = #tpu.dot_dimension_numbers<[2], [2], [1], [1], [0, 0, 0, 1, 1, 1], [0], [0]>, transpose_lhs_hint = false} : vector<64x32x128xf32>, vector<64x32x128xf32>, vector<64x32x32xf32> -> vector<64x32x32xf32>
    %get3A_126 = arith.constant 0 : index
    %get3A_127 = arith.constant 0 : index
    %get3A_128 = vector.load %arg12[%get3A_126, %get3A_127] : memref<32x32xf32, #tpu.memory_space<vmem>>, vector<32x32xf32>
    %broadcast_in_dim3A_129 = vector.shape_cast %get3A_128 : vector<32x32xf32> to vector<1x32x32xf32>
    %add3A_130 = vector.broadcast %broadcast_in_dim3A_129 : vector<1x32x32xf32> to vector<64x32x32xf32>
    %add3A_131 = arith.addf %dot_general3A_125, %add3A_130 : vector<64x32x32xf32>
    %exp23A = math.exp2 %add3A_131 : vector<64x32x32xf32>
    %reduce_sum3A = arith.constant dense<0.000000e+00> : vector<64x32xf32>
    %reduce_sum3A_132 = vector.multi_reduction <add>, %exp23A, %reduce_sum3A [2] : vector<64x32x32xf32> to vector<64x32xf32>
    %broadcast_in_dim3A_133 = vector.shape_cast %reduce_sum3A_132 : vector<64x32xf32> to vector<64x32x1xf32>
    %div3A = arith.constant 1.000000e+00 : f32
    %div3A_134 = vector.broadcast %div3A : f32 to vector<64x32x1xf32>
    %div3A_135 = arith.divf %div3A_134, %broadcast_in_dim3A_133 : vector<64x32x1xf32>
    %mul3A = vector.broadcast %div3A_135 : vector<64x32x1xf32> to vector<64x32x32xf32>
    %mul3A_136 = arith.mulf %exp23A, %mul3A : vector<64x32x32xf32>
    %dot_general3A_137 = arith.constant dense<0.000000e+00> : vector<64x32x128xf32>
    %dot_general3A_138 = tpu.matmul %mul3A_136, %add3A_123, %dot_general3A_137 {dimension_numbers = #tpu.dot_dimension_numbers<[2], [1], [1], [2], [0, 0, 0, 1, 1, 2], [0], [0]>, transpose_lhs_hint = false} : vector<64x32x32xf32>, vector<64x32x128xf32>, vector<64x32x128xf32> -> vector<64x32x128xf32>
    %get3A_139 = arith.constant 0 : index
    %get3A_140 = arith.constant 0 : index
    %get3A_141 = arith.constant 0 : index
    %get3A_142 = vector.load %arg8[%get3A_139, %get3A_140, %get3A_141] : memref<4x128x32xf32, #tpu.memory_space<vmem>>, vector<1x128x32xf32>
    %get3A_143 = vector.shape_cast %get3A_142 : vector<1x128x32xf32> to vector<128x32xf32>
    %dot_general3A_144 = arith.constant dense<0.000000e+00> : vector<64x32x32xf32>
    %dot_general3A_145 = tpu.matmul %dot_general3A_138, %get3A_143, %dot_general3A_144 {dimension_numbers = #tpu.dot_dimension_numbers<[2], [0], [0, 1], [1], [0, 0, 0, 1, 1, 1], [], []>, transpose_lhs_hint = false} : vector<64x32x128xf32>, vector<128x32xf32>, vector<64x32x32xf32> -> vector<64x32x32xf32>
    %get3A_146 = arith.constant 0 : index
    %get3A_147 = arith.constant 0 : index
    %get3A_148 = arith.constant 0 : index
    %get3A_149 = vector.load %arg9[%get3A_146, %get3A_147, %get3A_148] : memref<4x1x32xf32, #tpu.memory_space<vmem>>, vector<1x1x32xf32>
    %get3A_150 = vector.shape_cast %get3A_149 : vector<1x1x32xf32> to vector<1x32xf32>
    %broadcast_in_dim3A_151 = vector.shape_cast %get3A_150 : vector<1x32xf32> to vector<1x1x32xf32>
    %add3A_152 = vector.broadcast %broadcast_in_dim3A_151 : vector<1x1x32xf32> to vector<64x32x32xf32>
    %add3A_153 = arith.addf %dot_general3A_145, %add3A_152 : vector<64x32x32xf32>
    %get3A_154 = arith.constant 1 : index
    %get3A_155 = arith.constant 0 : index
    %get3A_156 = arith.constant 0 : index
    %get3A_157 = vector.load %arg8[%get3A_154, %get3A_155, %get3A_156] : memref<4x128x32xf32, #tpu.memory_space<vmem>>, vector<1x128x32xf32>
    %get3A_158 = vector.shape_cast %get3A_157 : vector<1x128x32xf32> to vector<128x32xf32>
    %dot_general3A_159 = arith.constant dense<0.000000e+00> : vector<64x32x32xf32>
    %dot_general3A_160 = tpu.matmul %dot_general3A_138, %get3A_158, %dot_general3A_159 {dimension_numbers = #tpu.dot_dimension_numbers<[2], [0], [0, 1], [1], [0, 0, 0, 1, 1, 1], [], []>, transpose_lhs_hint = false} : vector<64x32x128xf32>, vector<128x32xf32>, vector<64x32x32xf32> -> vector<64x32x32xf32>
    %get3A_161 = arith.constant 1 : index
    %get3A_162 = arith.constant 0 : index
    %get3A_163 = arith.constant 0 : index
    %get3A_164 = vector.load %arg9[%get3A_161, %get3A_162, %get3A_163] : memref<4x1x32xf32, #tpu.memory_space<vmem>>, vector<1x1x32xf32>
    %get3A_165 = vector.shape_cast %get3A_164 : vector<1x1x32xf32> to vector<1x32xf32>
    %broadcast_in_dim3A_166 = vector.shape_cast %get3A_165 : vector<1x32xf32> to vector<1x1x32xf32>
    %add3A_167 = vector.broadcast %broadcast_in_dim3A_166 : vector<1x1x32xf32> to vector<64x32x32xf32>
    %add3A_168 = arith.addf %dot_general3A_160, %add3A_167 : vector<64x32x32xf32>
    %get3A_169 = arith.constant 2 : index
    %get3A_170 = arith.constant 0 : index
    %get3A_171 = arith.constant 0 : index
    %get3A_172 = vector.load %arg8[%get3A_169, %get3A_170, %get3A_171] : memref<4x128x32xf32, #tpu.memory_space<vmem>>, vector<1x128x32xf32>
    %get3A_173 = vector.shape_cast %get3A_172 : vector<1x128x32xf32> to vector<128x32xf32>
    %dot_general3A_174 = arith.constant dense<0.000000e+00> : vector<64x32x32xf32>
    %dot_general3A_175 = tpu.matmul %dot_general3A_138, %get3A_173, %dot_general3A_174 {dimension_numbers = #tpu.dot_dimension_numbers<[2], [0], [0, 1], [1], [0, 0, 0, 1, 1, 1], [], []>, transpose_lhs_hint = false} : vector<64x32x128xf32>, vector<128x32xf32>, vector<64x32x32xf32> -> vector<64x32x32xf32>
    %get3A_176 = arith.constant 2 : index
    %get3A_177 = arith.constant 0 : index
    %get3A_178 = arith.constant 0 : index
    %get3A_179 = vector.load %arg9[%get3A_176, %get3A_177, %get3A_178] : memref<4x1x32xf32, #tpu.memory_space<vmem>>, vector<1x1x32xf32>
    %get3A_180 = vector.shape_cast %get3A_179 : vector<1x1x32xf32> to vector<1x32xf32>
    %broadcast_in_dim3A_181 = vector.shape_cast %get3A_180 : vector<1x32xf32> to vector<1x1x32xf32>
    %add3A_182 = vector.broadcast %broadcast_in_dim3A_181 : vector<1x1x32xf32> to vector<64x32x32xf32>
    %add3A_183 = arith.addf %dot_general3A_175, %add3A_182 : vector<64x32x32xf32>
    %get3A_184 = arith.constant 3 : index
    %get3A_185 = arith.constant 0 : index
    %get3A_186 = arith.constant 0 : index
    %get3A_187 = vector.load %arg8[%get3A_184, %get3A_185, %get3A_186] : memref<4x128x32xf32, #tpu.memory_space<vmem>>, vector<1x128x32xf32>
    %get3A_188 = vector.shape_cast %get3A_187 : vector<1x128x32xf32> to vector<128x32xf32>
    %dot_general3A_189 = arith.constant dense<0.000000e+00> : vector<64x32x32xf32>
    %dot_general3A_190 = tpu.matmul %dot_general3A_138, %get3A_188, %dot_general3A_189 {dimension_numbers = #tpu.dot_dimension_numbers<[2], [0], [0, 1], [1], [0, 0, 0, 1, 1, 1], [], []>, transpose_lhs_hint = false} : vector<64x32x128xf32>, vector<128x32xf32>, vector<64x32x32xf32> -> vector<64x32x32xf32>
    %get3A_191 = arith.constant 3 : index
    %get3A_192 = arith.constant 0 : index
    %get3A_193 = arith.constant 0 : index
    %get3A_194 = vector.load %arg9[%get3A_191, %get3A_192, %get3A_193] : memref<4x1x32xf32, #tpu.memory_space<vmem>>, vector<1x1x32xf32>
    %get3A_195 = vector.shape_cast %get3A_194 : vector<1x1x32xf32> to vector<1x32xf32>
    %broadcast_in_dim3A_196 = vector.shape_cast %get3A_195 : vector<1x32xf32> to vector<1x1x32xf32>
    %add3A_197 = vector.broadcast %broadcast_in_dim3A_196 : vector<1x1x32xf32> to vector<64x32x32xf32>
    %add3A_198 = arith.addf %dot_general3A_190, %add3A_197 : vector<64x32x32xf32>
    %concatenate3A = tpu.concatenate %add3A_153, %add3A_168, %add3A_183, %add3A_198 in 1 : vector<64x32x32xf32>, vector<64x32x32xf32>, vector<64x32x32xf32>, vector<64x32x32xf32> -> vector<64x128x32xf32>
    %transpose3A_199 = tpu.transpose %concatenate3A, [0, 2, 1] : vector<64x128x32xf32> -> vector<64x32x128xf32>
    %swap3A = arith.constant 0 : index
    %swap3A_200 = arith.constant 0 : index
    %swap3A_201 = arith.constant 0 : index
    %swap3A_202 = vector.load %arg11[%swap3A, %swap3A_200, %swap3A_201] : memref<64x32x128xf32, #tpu.memory_space<vmem>>, vector<64x32x128xf32>
    tpu.vector_store %arg11[%swap3A, %swap3A_200, %swap3A_201], %transpose3A_199 {strides = array<i32>} : memref<64x32x128xf32, #tpu.memory_space<vmem>>, vector<64x32x128xf32>,
    return
  }
  func.func @transform_0(%arg0: i32) -> (i32, i32, i32) {
    %c0_i32 = arith.constant 0 : i32
    %c0_i32_0 = arith.constant 0 : i32
    %c0_i32_1 = arith.constant 0 : i32
    return %arg0, %c0_i32, %c0_i32_0 : i32, i32, i32
  }
  func.func @transform_1(%arg0: i32) -> (i32, i32, i32) {
    %c0_i32 = arith.constant 0 : i32
    %c0_i32_0 = arith.constant 0 : i32
    %c0_i32_1 = arith.constant 0 : i32
    %c0_i32_2 = arith.constant 0 : i32
    return %c0_i32, %c0_i32_0, %c0_i32_1 : i32, i32, i32
  }
  func.func @transform_2(%arg0: i32) -> (i32, i32) {
    %c0_i32 = arith.constant 0 : i32
    %c0_i32_0 = arith.constant 0 : i32
    %c0_i32_1 = arith.constant 0 : i32
    return %c0_i32, %c0_i32_0 : i32, i32
  }
  func.func @transform_3(%arg0: i32) -> (i32, i32, i32) {
    %c0_i32 = arith.constant 0 : i32
    %c0_i32_0 = arith.constant 0 : i32
    %c0_i32_1 = arith.constant 0 : i32
    %c0_i32_2 = arith.constant 0 : i32
    return %c0_i32, %c0_i32_0, %c0_i32_1 : i32, i32, i32
  }
  func.func @transform_4(%arg0: i32) -> (i32, i32) {
    %c0_i32 = arith.constant 0 : i32
    %c0_i32_0 = arith.constant 0 : i32
    %c0_i32_1 = arith.constant 0 : i32
    return %c0_i32, %c0_i32_0 : i32, i32
  }
  func.func @transform_5(%arg0: i32) -> (i32, i32, i32) {
    %c0_i32 = arith.constant 0 : i32
    %c0_i32_0 = arith.constant 0 : i32
    %c0_i32_1 = arith.constant 0 : i32
    %c0_i32_2 = arith.constant 0 : i32
    return %c0_i32, %c0_i32_0, %c0_i32_1 : i32, i32, i32
  }
  func.func @transform_6(%arg0: i32) -> (i32, i32) {
    %c0_i32 = arith.constant 0 : i32
    %c0_i32_0 = arith.constant 0 : i32
    %c0_i32_1 = arith.constant 0 : i32
    return %c0_i32, %c0_i32_0 : i32, i32
  }
  func.func @transform_7(%arg0: i32) -> (i32, i32, i32) {
    %c0_i32 = arith.constant 0 : i32
    %c0_i32_0 = arith.constant 0 : i32
    %c0_i32_1 = arith.constant 0 : i32
    %c0_i32_2 = arith.constant 0 : i32
    return %c0_i32, %c0_i32_0, %c0_i32_1 : i32, i32, i32
  }
  func.func @transform_8(%arg0: i32) -> (i32, i32, i32) {
    %c0_i32 = arith.constant 0 : i32
    %c0_i32_0 = arith.constant 0 : i32
    %c0_i32_1 = arith.constant 0 : i32
    %c0_i32_2 = arith.constant 0 : i32
    return %c0_i32, %c0_i32_0, %c0_i32_1 : i32, i32, i32
  }
  func.func @transform_9(%arg0: i32) -> (i32, i32) {
    %c0_i32 = arith.constant 0 : i32
    %c0_i32_0 = arith.constant 0 : i32
    %c0_i32_1 = arith.constant 0 : i32
    return %c0_i32, %c0_i32_0 : i32, i32
  }
  func.func @transform_10(%arg0: i32) -> (i32, i32, i32) {
    %c0_i32 = arith.constant 0 : i32
    %c0_i32_0 = arith.constant 0 : i32
    %c0_i32_1 = arith.constant 0 : i32
    return %arg0, %c0_i32, %c0_i32_0 : i32, i32, i32
  }
}

</mosaic_0001>

<sc_bundles>
// kernel: sparse-core-data-format-call.cloned.1.call-start
scs
called_computation_lowered:
.L_overlay_start_0:
0x0: {  	s2 =	sld [smem:$0x3FD9]  }
0x1: {  	s3 =	sld [smem:$0x3FFE];
	_ =	sdelay $0x1  }
0x2: {  	s1 =	srdreg.scid  }
0x3: {  	s0 =	sand.u32 $0x1, s1  }
0x4: {  	s18 =	sshll.u32 s0, $0xA;
	s2 =	sadd.s32 s3, s2  }
0x5: {  	s2 =	sadd.s32 s2, s18  }
0x6: {  	[smem:$0x3FBE] =	sst s2  }
0x7: {  	_ = 	snop  }
0x8: {  	s2 =	sld [smem:$0x3FD0];
	(tm) =	ssettm $0x1  }
0x9: {  	s19 =	sld [smem:$0x3FFB];
	_ =	sdelay $0x3  }
0xa: {  	_ =	strace s19  }
0xb: {  	s3 =	sld [smem:$0x3FFC];
	_ =	sdelay $0x3  }
0xc: {  	_ =	strace s3  }
0xd: {  	s3 =	sld [smem:$0x3FFD];
	_ =	sdelay $0x3  }
0xe: {  	_ =	strace s3  }
0xf: {  	_ =	strace $0x8FFFFFFF  }
0x10: {  	s20 =	sld [smem:$0x3FDB];
	_ =	sdelay $0x1  }
0x11: {  	s4 =	simm.s32 $_scs_section_size  }
0x12: {  	s5 =	simm.s32 $_size__tile_overlayer_lowered;
	s6 =	simm.s32 $_tile_overlayer_lowered  }
0x13: {  	s23 =	simm.s32 $0x1BFF;
	s22 =	sshll.u32 s6, $0x1;
	s3 =	sadd.s32 s4, s20  }
0x14: {  	s7 =	simm.s32 $0x0;
	s21 =	sshll.u32 s5, $0x1;
	s5 =	sadd.s32 s22, s3  }
0x15: {  	[timem:s7], [sflag:s23] =	dma.local [hbm:s5], s21  }
0x16: {  	_ =	swait.ge [sflag:s23], s21  }
0x17: {  	s4 =	ssub.s32 $0x0, s21;
	[sflag:s23] =	ssyncset.done $0x0  }
0x18: {  	[sflag:s23] =	ssyncadd.s32 s4;
	_ =	sdelay $0x1  }
0x19: {  	s24 =	simm.s32 $0x1B8B  }
0x1a: {  	_ =	swait.ge [sflag:s24], $0x1  }
0x1b: {  	[sflag:s24] =	ssyncset.done $0x0  }
0x1c: {  	s26 =	simm.s32 $0x1B8E;
	s25 =	sld [smem:$0x3FFE];
	[sflag:s24] =	ssyncadd.s32 $0xFFFFFFFF  }
0x1d: {  	s27 =	simm.s32 $execute0_lowered;
	[smem:$0x3FD2] =	sst s26  }
0x1e: {  	s5 =	sshll.u32 s27, $0x1;
	_ =	strace $0x80000046;
	[dreg:$0x1] =	wrdreg $0xFFFFFFFF  }
0x1f: {  	s28 =	simm.s32 $_size_execute0_lowered;
	s3 =	sadd.s32 s3, s5;
	[dreg:$0x0] =	wrdreg $0x0  }
0x20: {  	s5 =	sshll.u32 s28, $0x1;
	[dreg:$0x2] =	wrdreg s3  }
0x21: {  	[dreg:$0x3] =	wrdreg s5  }
0x22: {  	[dreg:$0x4] =	wrdreg $0xC0  }
0x23: {  	_ =	task [dreg:s7], $0x5FFFF  }
0x24: {  	[dreg:$0x1] =	wrdreg $0xFFFFFFFF  }
0x25: {  	[dreg:$0x0] =	wrdreg $0x60  }
0x26: {  	[dreg:$0x2] =	wrdreg s25  }
0x27: {  	[dreg:$0x3] =	wrdreg s2  }
0x28: {  	[dreg:$0x4] =	wrdreg $0x9  }
0x29: {  	_ =	task.clear_ibuf [dreg:s7], $0x5FFFF;
	_ =	strace $0x90000046  }
0x2a: {  	s29 =	simm.s32 $0x9;
	_ =	strace $0x80000048  }
0x2b: {  	_ =	swait.ge [sflag:s29], $0x1  }
0x2c: {  	[sflag:s29] =	ssyncadd.s32 $0xFFFFFFFF  }
0x2d: {  	_ =	strace $0x90000048  }
0x2e: {  	_ =	sfence  }
0x2f: {  	s30 =	sld [smem:$0x0];
	_ =	sdelay $0x2  }
0x30: {  	s31 =	sshll.u32 s1, $0xD;
	s1 =	sshrl.u32 s1, $0x2  }
0x31: {  	s3 =	sand.u32 $0x4000, s31;
	s1 =	sadd.s32 s1, s30  }
0x32: {  	s0 =	sor.u32 s3, s0;
	s1 =	sshll.u32 s1, $0x11  }
0x33: {  	s0 =	sor.u32 s1, s0  }
0x34: {  	s0 =	sadd.s32 $0x8F2B, s0  }
0x35: {  	[sflag:s0] =	ssyncadd.remote.s32 $0x1  }
0x36: {  	_ =	sfence.sel $0xFFFF  }
0x37: {  	[dreg:$0x0] =	wrdreg $0xFFFFFFFF;
	(pc) =	sbr.abs _section_cstart, $3  }
0x38: {  	[dreg:$0x1] =	wrdreg $0xFFFFFFFF  }
0x39: {  	_ =	task.clear_ibuf [dreg:s7], $0x2FFFF;
	_ =	strace $0x9FFFFFFF  }
0x3a: {  	(tm) =	ssettm $0x7FFFFFFF  }
0x3b: {  	_ =	shalt  }
tec
execute0_lowered:
.L_overlay_start_1:
0x0: {  	(tag) =	ssettag $0x1  }
0x1: {  	s1 =	rddreg [dreg:$0x0]  }
0x2: {  	s2 =	rddreg [dreg:$0x1]  }
0x3: {  	s0 =	rddreg [dreg:$0x2]  }
0x4: {  	s4 =	srdreg.scid;
	_ =	strace $0x80000047;
	s6 =	simm.s32 $0x2  }
0x5: {  	s11 =	simm.s32 $0x0;
	p0 =	por $0x0, $0x0;
	s13 =	simm.s32 $0x0  }
.Ltmp0:
0x6: {  	s12 =	simm.s32 $0x0;
	s8 =	simm.s32 $0x0;
	(pc) =	sbr.rel .LBB1_1-.Ltmp0, $4  }
0x7: {  	s10 =	simm.s32 $0x0;
	s3 =	sadd.s32 $0xE00, s1;
	s4 =	sshll.u32 s4, $0x4  }
0x8: {  	s1 =	stileid.u32;
	s5 =	sand.u32 $0x10, s4;
	s4 =	simm.s32 $0x1  }
0x9: {  	s7 =	simm.s32 $0x0;
	s5 =	sor.u32 s1, s5;
	[sflag:s4] =	ssyncpa.u1 $0x0  }
0xa: {  	[sflag:s6] =	ssyncpa.u1 $0x0;
	s6 =	simm.s32 $0x1000;
	s9 =	smov.u32 s5  }
.LBB1_5:
0xb: {  	s14 =	sadd.s32 $0x80, s8  }
0xc: {  	s11 =	sadd.s32 $0x20, s9;
	s15 =	smov.u32 s9;
	p2 =	sgt.s32 s14, $0x7FF  }
0xd: {  	s15 =	smov.u32 @p2 s11  }
0xe: {  	s17 =	smov.u32 s10;
	s11 =	sadd.s32 $0x80, s10;
	p3 =	sgt.s32 s15, $0x1F  }
0xf: {  	p1 =	slt.u32 s7, $0x2;
	s17 =	smov.u32 @p3 s11  }
0x10: {  	s7 =	sadd.s32 $0x1, s7;
	s14 =	simm.s32 @p2 $0x0;
	p2 =	sgt.s32 s17, $0x7F  }
0x11: {  	s17 =	simm.s32 @p2 $0x0;
	p2 =	sne.s32 s7, $0x12  }
.Ltmp1:
0x12: {  	s16 =	simm.s32 @!p1 $0x2;
	(pc) =	sbr.rel @!p2 .LBB1_6-.Ltmp1, $4  }
0x13: {  	s13 =	smov.u32 s9;
	_ =	swait.ge @!p1 [sflag:s16], $0x4000  }
0x14: {  	s12 =	smov.u32 s10;
	p0 =	por !p0, !p0;
	[sflag:s16] =	ssyncset.done @!p1 $0x0  }
0x15: {  	s15 =	smov.u32 @p3 s5;
	s11 =	smov.u32 s8;
	[sflag:s16] =	ssyncadd.s32 @!p1 $0xFFFFC000  }
0x16: {  	s8 =	smov.u32 s14;
	s9 =	smov.u32 s15;
	s10 =	smov.u32 s17  }
.LBB1_1:
0x17: {  	p1 =	sgt.u32 s7, $0xF  }
0x18: {  	s14 =	sxor.u32 @!p1 $0xFFFFFFFF, s7;
	s15 =	sand.u32 @!p1 $0x78, s8;
	s16 =	sshll.u32 @!p1 s9, $0xB  }
0x19: {  	s17 =	sshll.u32 @!p1 s9, $0x7;
	s18 =	sshll.u32 @!p1 s8, $0x3;
	s14 =	sshll.u32 @!p1 s14, $0xE  }
0x1a: {  	s16 =	sand.u32 @!p1 $0xC000, s16;
	s17 =	sand.u32 @!p1 $0x380, s17;
	s14 =	sand.u32 @!p1 $0x4000, s14  }
0x1b: {  	s16 =	sadd.s32 @!p1 s16, s18;
	s18 =	sand.u32 @!p1 $0x400, s18;
	s15 =	sor.u32 @!p1 s17, s15  }
0x1c: {  	s17 =	sshll.u32 @!p1 s10, $0xD;
	s15 =	sor.u32 @!p1 s18, s15;
	s16 =	sshrl.u32 @!p1 s16, $0x3  }
0x1d: {  	s17 =	sadd.s32 @!p1 s3, s17;
	s18 =	sand.u32 @!p1 $0x7, s8;
	s16 =	sand.u32 @!p1 $0x1F00, s16  }
0x1e: {  	s15 =	sshrl.u32 @!p1 s15, $0x3;
	s16 =	sadd.s32 @!p1 s16, s17;
	s17 =	sshll.u32 @!p1 s18, $0x12  }
0x1f: {  	s15 =	sadd.s32 @!p1 s15, s16;
	s16 =	sor.u32 @!p1 $0x80, s17;
	s17 =	simm.s32 @!p1 $0x10000  }
0x20: {  	[tilespmem:s14], [sflag:$0x1] =	stream.strided.gather @!p1 [hbm4b:s15+s16], $0x4000, s17, s16, $0x38;
	[tilespmem:$0x10100] =	vst v63  }
0x21: {  	p1 =	seq.s32 s7, $0x0  }
0x22: {  	p2 =	seq.s32 @!p1 s7, $0x11  }
0x23: {  	p1 =	por p1, p2  }
.Ltmp2:
0x24: {  	_ = 	snop;
	(pc) =	sbr.rel @p1 .LBB1_5-.Ltmp2, $1  }
0x25: {  	_ =	sdelay $0x3  }
0x26: {  	s14 =	simm.s32 $0x1  }
0x27: {  	_ =	swait.ge [sflag:s4], $0x4000;
	s14 =	simm.s32 @!p0 $0x0  }
0x28: {  	[sflag:s4] =	ssyncset.done $0x0;
	s15 =	sshll.u32 s14, $0xE  }
0x29: {  	[sflag:s4] =	ssyncadd.s32 $0xFFFFC000;
	s16 =	sor.u32 $0x40, s15  }
0x2a: {  	s14 =	smul.u32 $0x10200, s14;
	v0 =	vld [tilespmem:s16+$0x30]  }
0x2b: {  	v3 =	vld [tilespmem:s16+$0xFFFFFFD0]  }
0x2c: {  	s14 =	sshrl.u32 s14, $0x2;
	v4 =	vld [tilespmem:s16+$0xFFFFFFE0]  }
0x2d: {  	v5 =	vld [tilespmem:s16+$0xFFFFFFF0];
	s15 =	sor.u32 $0x8000, s14  }
0x2e: {  	s31 =	sand.u32 $0x1, s7;
	v1 =	vld [tilespmem:s16+$0x0];
	s17 =	sadd.s32 $0x0, s15  }
0x2f: {  	v2 =	vld [tilespmem:s16+$0x10];
	s14 =	smul.u32 $0x10200, s31;
	[tilespmem:s17+$0x3870 ss:$0x81] =	vst.msk $0xffff, v0  }
0x30: {  	[tilespmem:s17+$0x810 ss:$0x81] =	vst.msk $0xffff, v3;
	v3 =	vld [tilespmem:s16+$0x20]  }
0x31: {  	s14 =	sshrl.u32 s14, $0x2;
	v0 =	vld [tilespmem:s16+$0xFFFFFFC0];
	[tilespmem:s17+$0x1020 ss:$0x81] =	vst.msk $0xffff, v4;
	s16 =	sadd.s32 $0x80, s16  }
0x32: {  	s18 =	simm.s32 $0x4;
	s19 =	simm.s32 $0x8;
	s14 =	sor.u32 $0x8000, s14;
	[tilespmem:s17+$0x1830 ss:$0x81] =	vst.msk $0xffff, v5;
	v4 =	vld [tilespmem:s16+$0x30]  }
.LBB1_3:
0x33: {  	p1 =	sne.s32 s19, $0x1FC;
	v5 =	vld [tilespmem:s16+$0xFFFFFFD0];
	[tilespmem:s17+$0x2040 ss:$0x81] =	vst.msk $0xffff, v1  }
0x34: {  	v6 =	vld [tilespmem:s16+$0xFFFFFFE0];
	[tilespmem:s17+$0x2850 ss:$0x81] =	vst.msk $0xffff, v2  }
0x35: {  	s20 =	sshra.s32 s18, $0x2;
	s18 =	smov.u32 s19;
	v7 =	vld [tilespmem:s16+$0xFFFFFFF0];
	[tilespmem:s17+$0x3060 ss:$0x81] =	vst.msk $0xffff, v3  }
.Ltmp3:
0x36: {  	v1 =	vld [tilespmem:s16+$0x0];
	[tilespmem:s17+$0x0 ss:$0x81] =	vst.msk $0xffff, v0;
	s17 =	sadd.s32 s20, s15;
	(pc) =	sbr.rel @p1 .LBB1_3-.Ltmp3, $4  }
0x37: {  	v2 =	vld [tilespmem:s16+$0x10];
	[tilespmem:s17+$0x3870 ss:$0x81] =	vst.msk $0xffff, v4  }
0x38: {  	[tilespmem:s17+$0x810 ss:$0x81] =	vst.msk $0xffff, v5;
	v3 =	vld [tilespmem:s16+$0x20]  }
0x39: {  	v0 =	vld [tilespmem:s16+$0xFFFFFFC0];
	[tilespmem:s17+$0x1020 ss:$0x81] =	vst.msk $0xffff, v6;
	s16 =	sadd.s32 $0x80, s16  }
0x3a: {  	s19 =	sadd.s32 $0x4, s19;
	v4 =	vld [tilespmem:s16+$0x30];
	[tilespmem:s17+$0x1830 ss:$0x81] =	vst.msk $0xffff, v7  }
0x3b: {  	v5 =	vld [tilespmem:s16+$0xFFFFFFD0];
	[tilespmem:s17+$0x2040 ss:$0x81] =	vst.msk $0xffff, v1  }
0x3c: {  	v58 =	vld [tilespmem:s16+$0xFFFFFFE0];
	[tilespmem:s17+$0x2850 ss:$0x81] =	vst.msk $0xffff, v2  }
0x3d: {  	s18 =	sshra.s32 s18, $0x2;
	v59 =	vld [tilespmem:s16+$0xFFFFFFF0];
	[tilespmem:s17+$0x3060 ss:$0x81] =	vst.msk $0xffff, v3  }
0x3e: {  	v60 =	vld [tilespmem:s16+$0x0];
	s15 =	sadd.s32 s18, s15;
	[tilespmem:s17+$0x0 ss:$0x81] =	vst.msk $0xffff, v0  }
0x3f: {  	v61 =	vld [tilespmem:s16+$0x10];
	[tilespmem:s15+$0x3870 ss:$0x81] =	vst.msk $0xffff, v4  }
0x40: {  	s13 =	sshll.u32 s13, $0x7;
	s27 =	sshll.u32 s12, $0x3;
	v62 =	vld [tilespmem:s16+$0x20];
	[tilespmem:s15+$0x810 ss:$0x81] =	vst.msk $0xffff, v5  }
0x41: {  	v63 =	vld [tilespmem:s16+$0xFFFFFFC0];
	s30 =	sshrl.u32 s12, $0x3;
	s28 =	sand.u32 $0xC00, s13;
	s17 =	sand.u32 $0xC00, s27;
	[tilespmem:s15+$0x1020 ss:$0x81] =	vst.msk $0xffff, v58  }
0x42: {  	s11 =	sshll.u32 s11, $0x9;
	s13 =	sand.u32 $0x380, s13;
	s29 =	sadd.s32 s17, s28;
	[tilespmem:s15+$0x1830 ss:$0x81] =	vst.msk $0xffff, v59  }
.Ltmp4:
0x43: {  	s16 =	sand.u32 $0xF, s30;
	s13 =	sor.u32 s13, s29;
	[tilespmem:s15+$0x2040 ss:$0x81] =	vst.msk $0xffff, v60;
	(pc) =	sbr.rel .LBB1_5-.Ltmp4, $4  }
0x44: {  	s31 =	sand.u32 $0x7, s12;
	s16 =	sadd.s32 s2, s16;
	[tilespmem:s15+$0x2850 ss:$0x81] =	vst.msk $0xffff, v61;
	s13 =	sshrl.u32 s13, $0x3  }
0x45: {  	s12 =	sshll.u32 s31, $0x12;
	s11 =	sadd.s32 s11, s16;
	[tilespmem:s15+$0x3060 ss:$0x81] =	vst.msk $0xffff, v62;
	s13 =	sand.u32 $0x1F0, s13  }
0x46: {  	s12 =	sor.u32 $0x80, s12;
	[tilespmem:s15+$0x0 ss:$0x81] =	vst.msk $0xffff, v63;
	s11 =	sadd.s32 s13, s11  }
0x47: {  	[hbm4b:s11+s12] =	stream.strided.scatter [tilespmem:s14], [sflag:$0x2], $0x4000, s6, s12, $0x20;
	[tilespmem:$0x10100] =	vst v63  }
.LBB1_6:
0x48: {  	_ =	sfence.sel $0x180000  }
0x49: {  	s2 =	simm.s32 $0x1;
	[bflag:$0x0] =	sbarrier.arrive $0xFFFF  }
0x4a: {  	s31 =	simm.s32 $0x2;
	[sflag:s2] =	ssyncpa.u1 $0x1  }
0x4b: {  	[sflag:s31] =	ssyncpa.u1 $0x1  }
0x4c: {  	p0 =	sne.s32 s1, $0x0;
	_ =	strace $0x90000047  }
0x4d: {  	s0 =	sadd.s32 @!p0 $0x100000, s0;
	[bflag:$0x2] =	sbarrier.arrive $0xFFFF  }
0x4e: {  	[sflag:s0] =	ssyncadd.tile.s32 @!p0 $0x1;
	_ =	shalt  }
.Lfunc_end1:
_tile_overlayer_lowered:
.L_overlay_start_2:
0x4f: {  	(tag) =	ssettag $0x2  }
0x50: {  	s0 =	rddreg [dreg:$0x0];
	s2 =	stileid.u32  }
0x51: {  	s1 =	rddreg [dreg:$0x1];
	p0 =	sne.s32 s2, $0x0  }
0x52: {  	s3 =	rddreg [dreg:$0x2];
	[bflag:$0x3] =	sbarrier.arrive $0xFFFF;
	s2 =	simm.s32 @!p0 $0x1C01  }
0x53: {  	[timem:s3], [sflag:s2] =	dma.local @!p0 [hbm:s0], s1  }
0x54: {  	s0 =	simm.s32 @!p0 $0x1  }
0x55: {  	_ =	swait.ge @!p0 [sflag:s0], s1  }
0x56: {  	s1 =	ssub.s32 @!p0 $0x0, s1;
	[sflag:s0] =	ssyncset.done @!p0 $0x0  }
0x57: {  	[sflag:s0] =	ssyncadd.s32 @!p0 s1  }
0x58: {  	[bflag:$0x3] =	sbarrier.arrive $0xFFFF  }
0x59: {  	_ =	shalt  }

</sc_bundles>
